<compile_context>
chip_gen: v7x
topology: tpu7x:2x2x1
jax: 0.10.2.dev20260603
libtpu: 0.0.44.dev20260713+nightly
codegen_flags: <defaults>
</compile_context>

<pallas_src>
import functools

import jax
import jax.numpy as jnp
from jax import lax
from jax.experimental import pallas as pl
from jax.experimental.pallas import tpu as pltpu
from jax.experimental.pallas import tpu_sc as plsc

VOCAB = 1000
D = 1000
D_PAD = 1024
B, L = 1024, 50
N = B * L

NC, NS = 2, 16
NW = NC * NS
B_PER_W = N // NW
CA = 32
CB = 24
PAIR = CA + CB
NPAIR = 28
TAIL_OFF = NPAIR * PAIR


def _emb_body(idx_hbm, table_hbm, out_hbm, table_sp, idx_v, rows0, rows1,
              sem0, sem1):
    cid = lax.axis_index("c")
    sid = lax.axis_index("s")
    wid = sid * NC + cid
    base = wid * B_PER_W

    @pl.when(sid == 0)
    def _():
        pltpu.sync_copy(table_hbm, table_sp)

    pltpu.sync_copy(idx_hbm.at[pl.ds(base, B_PER_W)], idx_v)
    plsc.subcore_barrier()

    def gather_start(off, n, rows, sem):
        pltpu.async_copy(table_sp.at[idx_v.at[pl.ds(off, n)]], rows, sem)

    def gather_wait(off, n, rows, sem):
        pltpu.make_async_copy(table_sp.at[idx_v.at[pl.ds(off, n)]],
                              rows, sem).wait()

    def write_out(off, n, rows):
        pltpu.sync_copy(rows, out_hbm.at[pl.ds(base + off, n)])

    gather_start(0, CA, rows0, sem0)
    gather_start(CA, CB, rows1, sem1)

    def body(j, carry):
        off = j * PAIR
        gather_wait(off, CA, rows0, sem0)
        write_out(off, CA, rows0)
        gather_start(off + PAIR, CA, rows0, sem0)
        gather_wait(off + CA, CB, rows1, sem1)
        write_out(off + CA, CB, rows1)
        gather_start(off + PAIR + CA, CB, rows1, sem1)
        return carry

    lax.fori_loop(0, NPAIR - 1, body, 0)

    off = (NPAIR - 1) * PAIR
    gather_wait(off, CA, rows0, sem0)
    write_out(off, CA, rows0)
    gather_start(TAIL_OFF, CA, rows0, sem0)
    gather_wait(off + CA, CB, rows1, sem1)
    write_out(off + CA, CB, rows1)
    gather_wait(TAIL_OFF, CA, rows0, sem0)
    write_out(TAIL_OFF, CA, rows0)


_emb = functools.partial(
    pl.kernel,
    out_type=jax.ShapeDtypeStruct((N, 8, 128), jnp.float32),
    mesh=plsc.VectorSubcoreMesh(core_axis_name="c", subcore_axis_name="s",
                                num_cores=NC, num_subcores=NS),
    scratch_types=[
        pltpu.VMEM_SHARED((VOCAB, 8, 128), jnp.float32),
        pltpu.VMEM((B_PER_W,), jnp.int32),
        pltpu.VMEM((CA, 8, 128), jnp.float32),
        pltpu.VMEM((CB, 8, 128), jnp.float32),
        pltpu.SemaphoreType.DMA,
        pltpu.SemaphoreType.DMA,
    ],
)(_emb_body)


@jax.jit
def kernel(x, table):
    idx = x.reshape(-1).astype(jnp.int32)
    table_p = jnp.pad(table, ((0, 0), (0, D_PAD - D))).reshape(VOCAB, 8, 128)
    out = _emb(idx, table_p)
    return out.reshape(B, L, D_PAD)[:, :, :D]

# --- scband reference (transcript-rebuilt; emitter-appended) ---
"""Pipeline reference for scband-bigram-model-84765474554568 (READ-ONLY COPY).

The authoritative reference and input builder live on the scoring server;
editing this copy changes nothing except your own understanding.
"""

import jax, jax.numpy as jnp
import numpy as np

VOCAB = 1000
B, L = 1024, 50

def setup_inputs(seed: int = 0) -> dict:
    key = jax.random.key(seed)
    k_x, k_tab = jax.random.split(key)
    x = jax.random.randint(k_x, (B, L), 0, VOCAB, dtype=jnp.int64 if jax.config.jax_enable_x64 else jnp.int32)
    table = jax.random.normal(k_tab, (VOCAB, VOCAB), dtype=jnp.float32)
    return {"x": x, "table": table}

def reference(x, table):
    # nn.Embedding lookup: logits[b, l, :] = table[x[b, l], :]
    logits = jnp.take(table, x, axis=0)
    return logits

if __name__ == "__main__":
    import jax
    _d = setup_inputs()
    print(jax.jit(kernel)(*tuple(_d.values())))

</pallas_src>

<mosaic_0001>
#map = affine_map<(d0, d1) -> (0)>
#map1 = affine_map<(d0, d1) -> (0, 0, 0)>
module attributes {stable_mosaic.version = 14 : i64} {
  func.func @_emb_body(%arg0: i32, %arg1: i32, %arg2: memref<51200xi32, #tpu.memory_space<hbm>>, %arg3: memref<1000x8x128xf32, #tpu.memory_space<hbm>>, %arg4: memref<51200x8x128xf32, #tpu.memory_space<hbm>>, %arg5: memref<1000x8x128xf32, #tpu.memory_space<vmem_shared>>, %arg6: memref<1600xi32, #tpu.memory_space<vmem>>, %arg7: memref<32x8x128xf32, #tpu.memory_space<vmem>>, %arg8: memref<24x8x128xf32, #tpu.memory_space<vmem>>, %arg9: memref<!tpu.dma_semaphore, #tpu.memory_space<semaphore_mem>>, %arg10: memref<!tpu.dma_semaphore, #tpu.memory_space<semaphore_mem>>) attributes {dimension_semantics = [#tpu.dimension_semantics<core_parallel>, #tpu.dimension_semantics<subcore_parallel>], iteration_bounds = array<i64: 2, 16>, scalar_prefetch = 0 : i64, scratch_operands = 6 : i64, tpu.core_type = #tpu.core_type<sc_vector_subcore>, window_params = [{transform_indices = #map}, {transform_indices = #map1}, {transform_indices = #map1}]} {
    %mul3A = arith.constant 2 : i32
    %mul3A_0 = arith.muli %arg1, %mul3A : i32
    %add3A = arith.addi %mul3A_0, %arg0 : i32
    %mul3A_1 = arith.constant 1600 : i32
    %mul3A_2 = arith.muli %add3A, %mul3A_1 : i32
    %eq3A = arith.constant 0 : i32
    %eq3A_3 = arith.cmpi eq, %arg1, %eq3A : i32
    %convert_element_type3A = arith.extui %eq3A_3 : i1 to i32
    %cond3A = arith.constant 0 : i32
    %cond3A_4 = arith.cmpi ne, %convert_element_type3A, %cond3A : i32
    scf.if %cond3A_4 {
      "tpu.region"() ({
        %run_scoped3A = tpu.sem_alloc : memref<!tpu.dma_semaphore, #tpu.memory_space<semaphore_mem>>
        tpu.enqueue_dma source(%arg3 : memref<1000x8x128xf32, #tpu.memory_space<hbm>>) target(%arg5 : memref<1000x8x128xf32, #tpu.memory_space<vmem_shared>>) target_semaphore(%run_scoped3A : memref<!tpu.dma_semaphore, #tpu.memory_space<semaphore_mem>>)
        tpu.wait_dma2 semaphore(%run_scoped3A : memref<!tpu.dma_semaphore, #tpu.memory_space<semaphore_mem>>) src(%arg3 : memref<1000x8x128xf32, #tpu.memory_space<hbm>>) dst(%arg5 : memref<1000x8x128xf32, #tpu.memory_space<vmem_shared>>)
        tpu.yield
      }) : () -> ()
    } else {
    }
    "tpu.region"() ({
      %run_scoped3A = tpu.sem_alloc : memref<!tpu.dma_semaphore, #tpu.memory_space<semaphore_mem>>
      %dma_start3A_50 = tpu.memref_slice %arg2[%mul3A_2] : memref<51200xi32, #tpu.memory_space<hbm>> -> memref<1600xi32, #tpu.memory_space<hbm>>
      %dma_start3A_51 = tpu.memref_slice %arg2[%mul3A_2] : memref<51200xi32, #tpu.memory_space<hbm>> -> memref<1600xi32, #tpu.memory_space<hbm>>
      tpu.enqueue_dma source(%dma_start3A_51 : memref<1600xi32, #tpu.memory_space<hbm>>) target(%arg6 : memref<1600xi32, #tpu.memory_space<vmem>>) target_semaphore(%run_scoped3A : memref<!tpu.dma_semaphore, #tpu.memory_space<semaphore_mem>>)
      %dma_wait3A_52 = tpu.memref_slice %arg2[%mul3A_2] : memref<51200xi32, #tpu.memory_space<hbm>> -> memref<1600xi32, #tpu.memory_space<hbm>>
      %dma_wait3A_53 = tpu.memref_slice %arg2[%mul3A_2] : memref<51200xi32, #tpu.memory_space<hbm>> -> memref<1600xi32, #tpu.memory_space<hbm>>
      tpu.wait_dma2 semaphore(%run_scoped3A : memref<!tpu.dma_semaphore, #tpu.memory_space<semaphore_mem>>) src(%dma_wait3A_53 : memref<1600xi32, #tpu.memory_space<hbm>>) dst(%arg6 : memref<1600xi32, #tpu.memory_space<vmem>>)
      tpu.yield
    }) : () -> ()
    %barrier3A = arith.constant 0 : index
    tpu.barrier barrier_id(%barrier3A)
    %dma_start3A = arith.constant 0 : i32
    %dma_start3A_5 = tpu.memref_slice %arg6[%dma_start3A] : memref<1600xi32, #tpu.memory_space<vmem>> -> memref<32xi32, #tpu.memory_space<vmem>>
    %dma_start3A_6 = arith.constant 0 : i32
    %dma_start3A_7 = arith.constant 0 : i32
    %dma_start3A_8 = arith.constant 0 : i32
    %dma_start3A_9 = tpu.memref_slice %arg5[%dma_start3A_6, %dma_start3A_7, %dma_start3A_8] : memref<1000x8x128xf32, #tpu.memory_space<vmem_shared>> -> memref<1000x8x128xf32, #tpu.memory_space<vmem_shared>>
    tpu.enqueue_indirect_dma source(%dma_start3A_9 : memref<1000x8x128xf32, #tpu.memory_space<vmem_shared>>) target(%arg7 : memref<32x8x128xf32, #tpu.memory_space<vmem>>) offsets(%dma_start3A_5 : memref<32xi32, #tpu.memory_space<vmem>>) semaphore(%arg9 : memref<!tpu.dma_semaphore, #tpu.memory_space<semaphore_mem>>)
    %dma_start3A_10 = arith.constant 32 : i32
    %dma_start3A_11 = tpu.memref_slice %arg6[%dma_start3A_10] : memref<1600xi32, #tpu.memory_space<vmem>> -> memref<24xi32, #tpu.memory_space<vmem>>
    %dma_start3A_12 = arith.constant 0 : i32
    %dma_start3A_13 = arith.constant 0 : i32
    %dma_start3A_14 = arith.constant 0 : i32
    %dma_start3A_15 = tpu.memref_slice %arg5[%dma_start3A_12, %dma_start3A_13, %dma_start3A_14] : memref<1000x8x128xf32, #tpu.memory_space<vmem_shared>> -> memref<1000x8x128xf32, #tpu.memory_space<vmem_shared>>
    tpu.enqueue_indirect_dma source(%dma_start3A_15 : memref<1000x8x128xf32, #tpu.memory_space<vmem_shared>>) target(%arg8 : memref<24x8x128xf32, #tpu.memory_space<vmem>>) offsets(%dma_start3A_11 : memref<24xi32, #tpu.memory_space<vmem>>) semaphore(%arg10 : memref<!tpu.dma_semaphore, #tpu.memory_space<semaphore_mem>>)
    %scan3A = arith.constant 0 : i32
    %scan3A_16 = arith.constant 0 : i32
    %scan3A_17 = arith.constant 27 : i32
    %scan3A_18 = arith.addi %scan3A_16, %scan3A_17 : i32
    %scan3A_19 = arith.constant 1 : i32
    scf.for %scan3A_50 = %scan3A_16 to %scan3A_18 step %scan3A_19  : i32 {
      %mul3A_51 = arith.constant 56 : i32
      %mul3A_52 = arith.muli %scan3A_50, %mul3A_51 : i32
      %dma_wait3A_53 = tpu.memref_slice %arg6[%mul3A_52] : memref<1600xi32, #tpu.memory_space<vmem>> -> memref<32xi32, #tpu.memory_space<vmem>>
      %dma_wait3A_54 = arith.constant 0 : i32
      %dma_wait3A_55 = arith.constant 0 : i32
      %dma_wait3A_56 = arith.constant 0 : i32
      %dma_wait3A_57 = tpu.memref_slice %arg5[%dma_wait3A_54, %dma_wait3A_55, %dma_wait3A_56] : memref<1000x8x128xf32, #tpu.memory_space<vmem_shared>> -> memref<1000x8x128xf32, #tpu.memory_space<vmem_shared>>
      tpu.wait_indirect_dma semaphore(%arg9 : memref<!tpu.dma_semaphore, #tpu.memory_space<semaphore_mem>>) src(%dma_wait3A_57 : memref<1000x8x128xf32, #tpu.memory_space<vmem_shared>>) dst(%arg7 : memref<32x8x128xf32, #tpu.memory_space<vmem>>)
      %add3A_58 = arith.addi %mul3A_2, %mul3A_52 : i32
      "tpu.region"() ({
        %run_scoped3A = tpu.sem_alloc : memref<!tpu.dma_semaphore, #tpu.memory_space<semaphore_mem>>
        %dma_start3A_85 = arith.constant 0 : i32
        %dma_start3A_86 = arith.constant 0 : i32
        %dma_start3A_87 = tpu.memref_slice %arg4[%add3A_58, %dma_start3A_85, %dma_start3A_86] : memref<51200x8x128xf32, #tpu.memory_space<hbm>> -> memref<32x8x128xf32, #tpu.memory_space<hbm>>
        %dma_start3A_88 = arith.constant 0 : i32
        %dma_start3A_89 = arith.constant 0 : i32
        %dma_start3A_90 = tpu.memref_slice %arg4[%add3A_58, %dma_start3A_88, %dma_start3A_89] : memref<51200x8x128xf32, #tpu.memory_space<hbm>> -> memref<32x8x128xf32, #tpu.memory_space<hbm>>
        tpu.enqueue_dma source(%arg7 : memref<32x8x128xf32, #tpu.memory_space<vmem>>) target(%dma_start3A_90 : memref<32x8x128xf32, #tpu.memory_space<hbm>>) target_semaphore(%run_scoped3A : memref<!tpu.dma_semaphore, #tpu.memory_space<semaphore_mem>>)
        %dma_wait3A_91 = arith.constant 0 : i32
        %dma_wait3A_92 = arith.constant 0 : i32
        %dma_wait3A_93 = tpu.memref_slice %arg4[%add3A_58, %dma_wait3A_91, %dma_wait3A_92] : memref<51200x8x128xf32, #tpu.memory_space<hbm>> -> memref<32x8x128xf32, #tpu.memory_space<hbm>>
        %dma_wait3A_94 = arith.constant 0 : i32
        %dma_wait3A_95 = arith.constant 0 : i32
        %dma_wait3A_96 = tpu.memref_slice %arg4[%add3A_58, %dma_wait3A_94, %dma_wait3A_95] : memref<51200x8x128xf32, #tpu.memory_space<hbm>> -> memref<32x8x128xf32, #tpu.memory_space<hbm>>
        tpu.wait_dma2 semaphore(%run_scoped3A : memref<!tpu.dma_semaphore, #tpu.memory_space<semaphore_mem>>) src(%arg7 : memref<32x8x128xf32, #tpu.memory_space<vmem>>) dst(%dma_wait3A_96 : memref<32x8x128xf32, #tpu.memory_space<hbm>>)
        tpu.yield
      }) : () -> ()
      %add3A_59 = arith.constant 56 : i32
      %add3A_60 = arith.addi %mul3A_52, %add3A_59 : i32
      %dma_start3A_61 = tpu.memref_slice %arg6[%add3A_60] : memref<1600xi32, #tpu.memory_space<vmem>> -> memref<32xi32, #tpu.memory_space<vmem>>
      %dma_start3A_62 = arith.constant 0 : i32
      %dma_start3A_63 = arith.constant 0 : i32
      %dma_start3A_64 = arith.constant 0 : i32
      %dma_start3A_65 = tpu.memref_slice %arg5[%dma_start3A_62, %dma_start3A_63, %dma_start3A_64] : memref<1000x8x128xf32, #tpu.memory_space<vmem_shared>> -> memref<1000x8x128xf32, #tpu.memory_space<vmem_shared>>
      tpu.enqueue_indirect_dma source(%dma_start3A_65 : memref<1000x8x128xf32, #tpu.memory_space<vmem_shared>>) target(%arg7 : memref<32x8x128xf32, #tpu.memory_space<vmem>>) offsets(%dma_start3A_61 : memref<32xi32, #tpu.memory_space<vmem>>) semaphore(%arg9 : memref<!tpu.dma_semaphore, #tpu.memory_space<semaphore_mem>>)
      %add3A_66 = arith.constant 32 : i32
      %add3A_67 = arith.addi %mul3A_52, %add3A_66 : i32
      %dma_wait3A_68 = tpu.memref_slice %arg6[%add3A_67] : memref<1600xi32, #tpu.memory_space<vmem>> -> memref<24xi32, #tpu.memory_space<vmem>>
      %dma_wait3A_69 = arith.constant 0 : i32
      %dma_wait3A_70 = arith.constant 0 : i32
      %dma_wait3A_71 = arith.constant 0 : i32
      %dma_wait3A_72 = tpu.memref_slice %arg5[%dma_wait3A_69, %dma_wait3A_70, %dma_wait3A_71] : memref<1000x8x128xf32, #tpu.memory_space<vmem_shared>> -> memref<1000x8x128xf32, #tpu.memory_space<vmem_shared>>
      tpu.wait_indirect_dma semaphore(%arg10 : memref<!tpu.dma_semaphore, #tpu.memory_space<semaphore_mem>>) src(%dma_wait3A_72 : memref<1000x8x128xf32, #tpu.memory_space<vmem_shared>>) dst(%arg8 : memref<24x8x128xf32, #tpu.memory_space<vmem>>)
      %add3A_73 = arith.constant 32 : i32
      %add3A_74 = arith.addi %mul3A_52, %add3A_73 : i32
      %add3A_75 = arith.addi %mul3A_2, %add3A_74 : i32
      "tpu.region"() ({
        %run_scoped3A = tpu.sem_alloc : memref<!tpu.dma_semaphore, #tpu.memory_space<semaphore_mem>>
        %dma_start3A_85 = arith.constant 0 : i32
        %dma_start3A_86 = arith.constant 0 : i32
        %dma_start3A_87 = tpu.memref_slice %arg4[%add3A_75, %dma_start3A_85, %dma_start3A_86] : memref<51200x8x128xf32, #tpu.memory_space<hbm>> -> memref<24x8x128xf32, #tpu.memory_space<hbm>>
        %dma_start3A_88 = arith.constant 0 : i32
        %dma_start3A_89 = arith.constant 0 : i32
        %dma_start3A_90 = tpu.memref_slice %arg4[%add3A_75, %dma_start3A_88, %dma_start3A_89] : memref<51200x8x128xf32, #tpu.memory_space<hbm>> -> memref<24x8x128xf32, #tpu.memory_space<hbm>>
        tpu.enqueue_dma source(%arg8 : memref<24x8x128xf32, #tpu.memory_space<vmem>>) target(%dma_start3A_90 : memref<24x8x128xf32, #tpu.memory_space<hbm>>) target_semaphore(%run_scoped3A : memref<!tpu.dma_semaphore, #tpu.memory_space<semaphore_mem>>)
        %dma_wait3A_91 = arith.constant 0 : i32
        %dma_wait3A_92 = arith.constant 0 : i32
        %dma_wait3A_93 = tpu.memref_slice %arg4[%add3A_75, %dma_wait3A_91, %dma_wait3A_92] : memref<51200x8x128xf32, #tpu.memory_space<hbm>> -> memref<24x8x128xf32, #tpu.memory_space<hbm>>
        %dma_wait3A_94 = arith.constant 0 : i32
        %dma_wait3A_95 = arith.constant 0 : i32
        %dma_wait3A_96 = tpu.memref_slice %arg4[%add3A_75, %dma_wait3A_94, %dma_wait3A_95] : memref<51200x8x128xf32, #tpu.memory_space<hbm>> -> memref<24x8x128xf32, #tpu.memory_space<hbm>>
        tpu.wait_dma2 semaphore(%run_scoped3A : memref<!tpu.dma_semaphore, #tpu.memory_space<semaphore_mem>>) src(%arg8 : memref<24x8x128xf32, #tpu.memory_space<vmem>>) dst(%dma_wait3A_96 : memref<24x8x128xf32, #tpu.memory_space<hbm>>)
        tpu.yield
      }) : () -> ()
      %add3A_76 = arith.constant 56 : i32
      %add3A_77 = arith.addi %mul3A_52, %add3A_76 : i32
      %add3A_78 = arith.constant 32 : i32
      %add3A_79 = arith.addi %add3A_77, %add3A_78 : i32
      %dma_start3A_80 = tpu.memref_slice %arg6[%add3A_79] : memref<1600xi32, #tpu.memory_space<vmem>> -> memref<24xi32, #tpu.memory_space<vmem>>
      %dma_start3A_81 = arith.constant 0 : i32
      %dma_start3A_82 = arith.constant 0 : i32
      %dma_start3A_83 = arith.constant 0 : i32
      %dma_start3A_84 = tpu.memref_slice %arg5[%dma_start3A_81, %dma_start3A_82, %dma_start3A_83] : memref<1000x8x128xf32, #tpu.memory_space<vmem_shared>> -> memref<1000x8x128xf32, #tpu.memory_space<vmem_shared>>
      tpu.enqueue_indirect_dma source(%dma_start3A_84 : memref<1000x8x128xf32, #tpu.memory_space<vmem_shared>>) target(%arg8 : memref<24x8x128xf32, #tpu.memory_space<vmem>>) offsets(%dma_start3A_80 : memref<24xi32, #tpu.memory_space<vmem>>) semaphore(%arg10 : memref<!tpu.dma_semaphore, #tpu.memory_space<semaphore_mem>>)
    }
    %scan3A_20 = arith.constant 27 : i32
    %dma_wait3A = arith.constant 1512 : i32
    %dma_wait3A_21 = tpu.memref_slice %arg6[%dma_wait3A] : memref<1600xi32, #tpu.memory_space<vmem>> -> memref<32xi32, #tpu.memory_space<vmem>>
    %dma_wait3A_22 = arith.constant 0 : i32
    %dma_wait3A_23 = arith.constant 0 : i32
    %dma_wait3A_24 = arith.constant 0 : i32
    %dma_wait3A_25 = tpu.memref_slice %arg5[%dma_wait3A_22, %dma_wait3A_23, %dma_wait3A_24] : memref<1000x8x128xf32, #tpu.memory_space<vmem_shared>> -> memref<1000x8x128xf32, #tpu.memory_space<vmem_shared>>
    tpu.wait_indirect_dma semaphore(%arg9 : memref<!tpu.dma_semaphore, #tpu.memory_space<semaphore_mem>>) src(%dma_wait3A_25 : memref<1000x8x128xf32, #tpu.memory_space<vmem_shared>>) dst(%arg7 : memref<32x8x128xf32, #tpu.memory_space<vmem>>)
    %add3A_26 = arith.constant 1512 : i32
    %add3A_27 = arith.addi %mul3A_2, %add3A_26 : i32
    "tpu.region"() ({
      %run_scoped3A = tpu.sem_alloc : memref<!tpu.dma_semaphore, #tpu.memory_space<semaphore_mem>>
      %dma_start3A_50 = arith.constant 0 : i32
      %dma_start3A_51 = arith.constant 0 : i32
      %dma_start3A_52 = tpu.memref_slice %arg4[%add3A_27, %dma_start3A_50, %dma_start3A_51] : memref<51200x8x128xf32, #tpu.memory_space<hbm>> -> memref<32x8x128xf32, #tpu.memory_space<hbm>>
      %dma_start3A_53 = arith.constant 0 : i32
      %dma_start3A_54 = arith.constant 0 : i32
      %dma_start3A_55 = tpu.memref_slice %arg4[%add3A_27, %dma_start3A_53, %dma_start3A_54] : memref<51200x8x128xf32, #tpu.memory_space<hbm>> -> memref<32x8x128xf32, #tpu.memory_space<hbm>>
      tpu.enqueue_dma source(%arg7 : memref<32x8x128xf32, #tpu.memory_space<vmem>>) target(%dma_start3A_55 : memref<32x8x128xf32, #tpu.memory_space<hbm>>) target_semaphore(%run_scoped3A : memref<!tpu.dma_semaphore, #tpu.memory_space<semaphore_mem>>)
      %dma_wait3A_56 = arith.constant 0 : i32
      %dma_wait3A_57 = arith.constant 0 : i32
      %dma_wait3A_58 = tpu.memref_slice %arg4[%add3A_27, %dma_wait3A_56, %dma_wait3A_57] : memref<51200x8x128xf32, #tpu.memory_space<hbm>> -> memref<32x8x128xf32, #tpu.memory_space<hbm>>
      %dma_wait3A_59 = arith.constant 0 : i32
      %dma_wait3A_60 = arith.constant 0 : i32
      %dma_wait3A_61 = tpu.memref_slice %arg4[%add3A_27, %dma_wait3A_59, %dma_wait3A_60] : memref<51200x8x128xf32, #tpu.memory_space<hbm>> -> memref<32x8x128xf32, #tpu.memory_space<hbm>>
      tpu.wait_dma2 semaphore(%run_scoped3A : memref<!tpu.dma_semaphore, #tpu.memory_space<semaphore_mem>>) src(%arg7 : memref<32x8x128xf32, #tpu.memory_space<vmem>>) dst(%dma_wait3A_61 : memref<32x8x128xf32, #tpu.memory_space<hbm>>)
      tpu.yield
    }) : () -> ()
    %dma_start3A_28 = arith.constant 1568 : i32
    %dma_start3A_29 = tpu.memref_slice %arg6[%dma_start3A_28] : memref<1600xi32, #tpu.memory_space<vmem>> -> memref<32xi32, #tpu.memory_space<vmem>>
    %dma_start3A_30 = arith.constant 0 : i32
    %dma_start3A_31 = arith.constant 0 : i32
    %dma_start3A_32 = arith.constant 0 : i32
    %dma_start3A_33 = tpu.memref_slice %arg5[%dma_start3A_30, %dma_start3A_31, %dma_start3A_32] : memref<1000x8x128xf32, #tpu.memory_space<vmem_shared>> -> memref<1000x8x128xf32, #tpu.memory_space<vmem_shared>>
    tpu.enqueue_indirect_dma source(%dma_start3A_33 : memref<1000x8x128xf32, #tpu.memory_space<vmem_shared>>) target(%arg7 : memref<32x8x128xf32, #tpu.memory_space<vmem>>) offsets(%dma_start3A_29 : memref<32xi32, #tpu.memory_space<vmem>>) semaphore(%arg9 : memref<!tpu.dma_semaphore, #tpu.memory_space<semaphore_mem>>)
    %dma_wait3A_34 = arith.constant 1544 : i32
    %dma_wait3A_35 = tpu.memref_slice %arg6[%dma_wait3A_34] : memref<1600xi32, #tpu.memory_space<vmem>> -> memref<24xi32, #tpu.memory_space<vmem>>
    %dma_wait3A_36 = arith.constant 0 : i32
    %dma_wait3A_37 = arith.constant 0 : i32
    %dma_wait3A_38 = arith.constant 0 : i32
    %dma_wait3A_39 = tpu.memref_slice %arg5[%dma_wait3A_36, %dma_wait3A_37, %dma_wait3A_38] : memref<1000x8x128xf32, #tpu.memory_space<vmem_shared>> -> memref<1000x8x128xf32, #tpu.memory_space<vmem_shared>>
    tpu.wait_indirect_dma semaphore(%arg10 : memref<!tpu.dma_semaphore, #tpu.memory_space<semaphore_mem>>) src(%dma_wait3A_39 : memref<1000x8x128xf32, #tpu.memory_space<vmem_shared>>) dst(%arg8 : memref<24x8x128xf32, #tpu.memory_space<vmem>>)
    %add3A_40 = arith.constant 1544 : i32
    %add3A_41 = arith.addi %mul3A_2, %add3A_40 : i32
    "tpu.region"() ({
      %run_scoped3A = tpu.sem_alloc : memref<!tpu.dma_semaphore, #tpu.memory_space<semaphore_mem>>
      %dma_start3A_50 = arith.constant 0 : i32
      %dma_start3A_51 = arith.constant 0 : i32
      %dma_start3A_52 = tpu.memref_slice %arg4[%add3A_41, %dma_start3A_50, %dma_start3A_51] : memref<51200x8x128xf32, #tpu.memory_space<hbm>> -> memref<24x8x128xf32, #tpu.memory_space<hbm>>
      %dma_start3A_53 = arith.constant 0 : i32
      %dma_start3A_54 = arith.constant 0 : i32
      %dma_start3A_55 = tpu.memref_slice %arg4[%add3A_41, %dma_start3A_53, %dma_start3A_54] : memref<51200x8x128xf32, #tpu.memory_space<hbm>> -> memref<24x8x128xf32, #tpu.memory_space<hbm>>
      tpu.enqueue_dma source(%arg8 : memref<24x8x128xf32, #tpu.memory_space<vmem>>) target(%dma_start3A_55 : memref<24x8x128xf32, #tpu.memory_space<hbm>>) target_semaphore(%run_scoped3A : memref<!tpu.dma_semaphore, #tpu.memory_space<semaphore_mem>>)
      %dma_wait3A_56 = arith.constant 0 : i32
      %dma_wait3A_57 = arith.constant 0 : i32
      %dma_wait3A_58 = tpu.memref_slice %arg4[%add3A_41, %dma_wait3A_56, %dma_wait3A_57] : memref<51200x8x128xf32, #tpu.memory_space<hbm>> -> memref<24x8x128xf32, #tpu.memory_space<hbm>>
      %dma_wait3A_59 = arith.constant 0 : i32
      %dma_wait3A_60 = arith.constant 0 : i32
      %dma_wait3A_61 = tpu.memref_slice %arg4[%add3A_41, %dma_wait3A_59, %dma_wait3A_60] : memref<51200x8x128xf32, #tpu.memory_space<hbm>> -> memref<24x8x128xf32, #tpu.memory_space<hbm>>
      tpu.wait_dma2 semaphore(%run_scoped3A : memref<!tpu.dma_semaphore, #tpu.memory_space<semaphore_mem>>) src(%arg8 : memref<24x8x128xf32, #tpu.memory_space<vmem>>) dst(%dma_wait3A_61 : memref<24x8x128xf32, #tpu.memory_space<hbm>>)
      tpu.yield
    }) : () -> ()
    %dma_wait3A_42 = arith.constant 1568 : i32
    %dma_wait3A_43 = tpu.memref_slice %arg6[%dma_wait3A_42] : memref<1600xi32, #tpu.memory_space<vmem>> -> memref<32xi32, #tpu.memory_space<vmem>>
    %dma_wait3A_44 = arith.constant 0 : i32
    %dma_wait3A_45 = arith.constant 0 : i32
    %dma_wait3A_46 = arith.constant 0 : i32
    %dma_wait3A_47 = tpu.memref_slice %arg5[%dma_wait3A_44, %dma_wait3A_45, %dma_wait3A_46] : memref<1000x8x128xf32, #tpu.memory_space<vmem_shared>> -> memref<1000x8x128xf32, #tpu.memory_space<vmem_shared>>
    tpu.wait_indirect_dma semaphore(%arg9 : memref<!tpu.dma_semaphore, #tpu.memory_space<semaphore_mem>>) src(%dma_wait3A_47 : memref<1000x8x128xf32, #tpu.memory_space<vmem_shared>>) dst(%arg7 : memref<32x8x128xf32, #tpu.memory_space<vmem>>)
    %add3A_48 = arith.constant 1568 : i32
    %add3A_49 = arith.addi %mul3A_2, %add3A_48 : i32
    "tpu.region"() ({
      %run_scoped3A = tpu.sem_alloc : memref<!tpu.dma_semaphore, #tpu.memory_space<semaphore_mem>>
      %dma_start3A_50 = arith.constant 0 : i32
      %dma_start3A_51 = arith.constant 0 : i32
      %dma_start3A_52 = tpu.memref_slice %arg4[%add3A_49, %dma_start3A_50, %dma_start3A_51] : memref<51200x8x128xf32, #tpu.memory_space<hbm>> -> memref<32x8x128xf32, #tpu.memory_space<hbm>>
      %dma_start3A_53 = arith.constant 0 : i32
      %dma_start3A_54 = arith.constant 0 : i32
      %dma_start3A_55 = tpu.memref_slice %arg4[%add3A_49, %dma_start3A_53, %dma_start3A_54] : memref<51200x8x128xf32, #tpu.memory_space<hbm>> -> memref<32x8x128xf32, #tpu.memory_space<hbm>>
      tpu.enqueue_dma source(%arg7 : memref<32x8x128xf32, #tpu.memory_space<vmem>>) target(%dma_start3A_55 : memref<32x8x128xf32, #tpu.memory_space<hbm>>) target_semaphore(%run_scoped3A : memref<!tpu.dma_semaphore, #tpu.memory_space<semaphore_mem>>)
      %dma_wait3A_56 = arith.constant 0 : i32
      %dma_wait3A_57 = arith.constant 0 : i32
      %dma_wait3A_58 = tpu.memref_slice %arg4[%add3A_49, %dma_wait3A_56, %dma_wait3A_57] : memref<51200x8x128xf32, #tpu.memory_space<hbm>> -> memref<32x8x128xf32, #tpu.memory_space<hbm>>
      %dma_wait3A_59 = arith.constant 0 : i32
      %dma_wait3A_60 = arith.constant 0 : i32
      %dma_wait3A_61 = tpu.memref_slice %arg4[%add3A_49, %dma_wait3A_59, %dma_wait3A_60] : memref<51200x8x128xf32, #tpu.memory_space<hbm>> -> memref<32x8x128xf32, #tpu.memory_space<hbm>>
      tpu.wait_dma2 semaphore(%run_scoped3A : memref<!tpu.dma_semaphore, #tpu.memory_space<semaphore_mem>>) src(%arg7 : memref<32x8x128xf32, #tpu.memory_space<vmem>>) dst(%dma_wait3A_61 : memref<32x8x128xf32, #tpu.memory_space<hbm>>)
      tpu.yield
    }) : () -> ()
    return
  }
}

</mosaic_0001>

<sc_bundles>
// kernel: kernel.3.cloned.1.call-start
scs
__scs_entry_jumppad:
0x0: {  	(pc) =	sbr.rel $0x88, $3  }
0x1: {  	(tag) =	ssettag $0x0;
	lr =	simm.s32 $0x1  }
0x2: {  	[smem:$0x3F9F] =	sst lr;
	_ =	strace $0xD0000000  }
0x3: {  	_ = 	snop  }
0x4: {  	_ = 	snop  }
0x5: {  	_ = 	snop  }
0x6: {  	_ = 	snop  }
0x7: {  	_ = 	snop  }
__scs_overlays_trampoline_lowered:
0x8: {  	[smem:$0x3FAE] =	sst s0  }
0x9: {  	[smem:$0x3FAF] =	sst s1  }
0xa: {  	[smem:$0x3FB0] =	sst s2  }
0xb: {  	[smem:$0x3FB1] =	sst s3  }
0xc: {  	[smem:$0x3FB2] =	sst s4  }
0xd: {  	[smem:$0x3FB3] =	sst s5  }
0xe: {  	[smem:$0x3FB4] =	sst s6  }
0xf: {  	[smem:$0x3FB5] =	sst s7  }
0x10: {  	[smem:$0x3FB6] =	sst s8  }
0x11: {  	[smem:$0x3FB7] =	sst s9;
	s0 =	simm.s32 @!p0 $0x0  }
0x12: {  	s1 =	sld [smem:$0x3F9D];
	s0 =	simm.s32 @p0 $0x1  }
0x13: {  	[smem:$0x3FB8] =	sst s0;
	s0 =	simm.s32 @!p1 $0x0  }
0x14: {  	s2 =	sld [smem:$0x3F9C];
	s0 =	simm.s32 @p1 $0x1  }
0x15: {  	[smem:$0x3FB9] =	sst s0;
	s0 =	simm.s32 @!p2 $0x0  }
0x16: {  	s3 =	sld [smem:$0x3FDB];
	s0 =	simm.s32 @p2 $0x1  }
0x17: {  	s4 =	simm.s32 $0x1BF5;
	[smem:$0x3FBB] =	sst s0  }
0x18: {  	s0 =	sld [smem:$0x3F9E];
	_ =	swait.ge [sflag:s4], $0x0  }
0x19: {  	s7 =	sld [smem:$0x3F9F]  }
0x1a: {  	s8 =	sadd.s32 $0xFFFFE003, lr  }
0x1b: {  	s9 =	sadd.s32 $0xFFFFFEF7, lr;
	s5 =	simm.s32 $0xFFFFFFFF;
	p2 =	slt.u32 s8, $0xFFFFF086  }
0x1c: {  	p1 =	slt.u32 s9, $0xF7A;
	s5 =	simm.s32 @!p2 $0x0  }
0x1d: {  	s5 =	simm.s32 @p1 $0x1;
	p0 =	seq.s32 s7, s2  }
0x1e: {  	s7 =	smul.u32 @!p0 $0xF7A, s2;
	p2 =	seq.s32 @!p0 s5, $0x0  }
0x1f: {  	s9 =	smul.u32 $0xF7A, s1;
	s8 =	simm.s32 @!p0 $0x1BF5;
	p2 =	por !p2, p0  }
0x20: {  	[sflag:s8] =	ssyncset.s32 @!p0 $0xFFFFF086;
	s6 =	sadd.s32 @!p0 s3, s7;
	s7 =	simm.s32 @!p0 $0x108  }
0x21: {  	s3 =	sadd.s32 s3, s9;
	s6 =	sadd.s32 @!p0 $0x88, s6;
	s7 =	simm.s32 @p2 $0x1082  }
0x22: {  	[simem:s7], [sflag:s8] =	dma.local @!p0 [hbm:s6], $0xF7A  }
0x23: {  	s9 =	sor.u32 $0xD0000000, s2;
	s6 =	simm.s32 $0x108;
	_ =	swait.ge @!p0 [sflag:s8], $0x0  }
0x24: {  	s3 =	sadd.s32 $0x88, s3;
	s6 =	simm.s32 @!p1 $0x1082;
	[sflag:s4] =	ssyncset.s32 $0xFFFFF086  }
0x25: {  	[simem:s6], [sflag:s4] =	dma.local [hbm:s3], $0xF7A  }
0x26: {  	[smem:$0x3F9F] =	sst s1;
	(tag) =	ssettag s2;
	_ =	strace s9  }
0x27: {  	s1 =	sld [smem:$0x3FAF]  }
0x28: {  	s2 =	sld [smem:$0x3FB0]  }
0x29: {  	s4 =	sld [smem:$0x3FB2]  }
0x2a: {  	p0 =	seq.s32 s5, $0x0;
	s5 =	sld [smem:$0x3FB3]  }
0x2b: {  	s6 =	sld [smem:$0x3FB4]  }
0x2c: {  	s7 =	sld [smem:$0x3FB5]  }
0x2d: {  	s3 =	simm.s32 $0x108;
	s8 =	sld [smem:$0x3FB6]  }
0x2e: {  	s3 =	simm.s32 @!p0 $0x1082;
	s9 =	sld [smem:$0x3FB7]  }
0x2f: {  	lr =	sadd.s32 s0, s3;
	s0 =	sld [smem:$0x3FAE]  }
0x30: {  	s3 =	sld [smem:$0x3FB1]  }
0x31: {  	[smem:$0x3FBA] =	sst s10  }
0x32: {  	s10 =	sld [smem:$0x3FB8];
	_ =	sdelay $0x3  }
0x33: {  	p0 =	seq.s32 s10, $0x1;
	s10 =	sld [smem:$0x3FBA];
	_ =	sdelay $0x3  }
0x34: {  	[smem:$0x3FBA] =	sst s10  }
0x35: {  	s10 =	sld [smem:$0x3FB9];
	_ =	sdelay $0x3  }
0x36: {  	p1 =	seq.s32 s10, $0x1;
	s10 =	sld [smem:$0x3FBA];
	_ =	sdelay $0x3  }
0x37: {  	[smem:$0x3FBA] =	sst s10  }
0x38: {  	s10 =	sld [smem:$0x3FBB]  }
0x39: {  	_ = 	snop;
	(pc) =	sbr.ind lr, $3  }
0x3a: {  	_ = 	snop  }
0x3b: {  	_ = 	snop  }
0x3c: {  	p2 =	seq.s32 s10, $0x1;
	s10 =	sld [smem:$0x3FBA]  }
0x3d: {  	_ =	shalt  }
0x3e: {  	_ =	shalt  }
0x3f: {  	_ =	shalt  }
0x40: {  	_ =	shalt  }
0x41: {  	_ =	shalt  }
0x42: {  	_ =	shalt  }
0x43: {  	_ =	shalt  }
0x44: {  	_ =	shalt  }
0x45: {  	_ =	shalt  }
0x46: {  	_ =	shalt  }
0x47: {  	_ =	shalt  }
0x48: {  	_ =	shalt  }
0x49: {  	_ =	shalt  }
0x4a: {  	_ =	shalt  }
0x4b: {  	_ =	shalt  }
0x4c: {  	_ =	shalt  }
0x4d: {  	_ =	shalt  }
0x4e: {  	_ =	shalt  }
0x4f: {  	_ =	shalt  }
0x50: {  	_ =	shalt  }
0x51: {  	_ =	shalt  }
0x52: {  	_ =	shalt  }
0x53: {  	_ =	shalt  }
0x54: {  	_ =	shalt  }
0x55: {  	_ =	shalt  }
0x56: {  	_ =	shalt  }
0x57: {  	_ =	shalt  }
0x58: {  	_ =	shalt  }
0x59: {  	_ =	shalt  }
0x5a: {  	_ =	shalt  }
0x5b: {  	_ =	shalt  }
0x5c: {  	_ =	shalt  }
0x5d: {  	_ =	shalt  }
0x5e: {  	_ =	shalt  }
0x5f: {  	_ =	shalt  }
0x60: {  	_ =	shalt  }
0x61: {  	_ =	shalt  }
0x62: {  	_ =	shalt  }
0x63: {  	_ =	shalt  }
0x64: {  	_ =	shalt  }
0x65: {  	_ =	shalt  }
0x66: {  	_ =	shalt  }
0x67: {  	_ =	shalt  }
0x68: {  	_ =	shalt  }
0x69: {  	_ =	shalt  }
0x6a: {  	_ =	shalt  }
0x6b: {  	_ =	shalt  }
0x6c: {  	_ =	shalt  }
0x6d: {  	_ =	shalt  }
0x6e: {  	_ =	shalt  }
0x6f: {  	_ =	shalt  }
0x70: {  	_ =	shalt  }
0x71: {  	_ =	shalt  }
0x72: {  	_ =	shalt  }
0x73: {  	_ =	shalt  }
0x74: {  	_ =	shalt  }
0x75: {  	_ =	shalt  }
0x76: {  	_ =	shalt  }
0x77: {  	_ =	shalt  }
0x78: {  	_ =	shalt  }
0x79: {  	_ =	shalt  }
0x7a: {  	_ =	shalt  }
0x7b: {  	_ =	shalt  }
0x7c: {  	_ =	shalt  }
0x7d: {  	_ =	shalt  }
0x7e: {  	_ =	shalt  }
0x7f: {  	_ =	shalt  }
0x80: {  	_ =	shalt  }
0x81: {  	_ =	shalt  }
0x82: {  	_ =	shalt  }
0x83: {  	_ =	shalt  }
0x84: {  	_ =	shalt  }
0x85: {  	_ =	shalt  }
0x86: {  	_ =	shalt  }
0x87: {  	_ =	shalt  }
.Lfunc_end0:
.L_simem_size_0:
called_computation.1_lowered:
.L_overlay_start_0:
0x88: {  	s2 =	sld [smem:$0x3FD9]  }
0x89: {  	s3 =	sld [smem:$0x3FFE];
	_ =	sdelay $0x1  }
0x8a: {  	s1 =	srdreg.scid  }
0x8b: {  	s0 =	sand.u32 $0x1, s1  }
0x8c: {  	s17 =	sshll.u32 s0, $0xA;
	s2 =	sadd.s32 s3, s2  }
0x8d: {  	s2 =	sadd.s32 s2, s17  }
0x8e: {  	[smem:$0x3FC6] =	sst s2  }
0x8f: {  	_ = 	snop  }
0x90: {  	s2 =	sld [smem:$0x3FD0];
	(tm) =	ssettm $0x1  }
0x91: {  	s18 =	sld [smem:$0x3FFB];
	_ =	sdelay $0x3  }
0x92: {  	_ =	strace s18  }
0x93: {  	s3 =	sld [smem:$0x3FFC];
	_ =	sdelay $0x3  }
0x94: {  	_ =	strace s3  }
0x95: {  	s3 =	sld [smem:$0x3FFD];
	_ =	sdelay $0x3  }
0x96: {  	_ =	strace s3  }
0x97: {  	_ =	strace $0x8FFFFFFF  }
0x98: {  	s19 =	sld [smem:$0x3FDB];
	_ =	sdelay $0x1  }
0x99: {  	s4 =	simm.s32 $_scs_section_size  }
0x9a: {  	s5 =	simm.s32 $_size__tile_overlayer_lowered;
	s6 =	simm.s32 $_tile_overlayer_lowered  }
0x9b: {  	s22 =	simm.s32 $0x1BFF;
	s21 =	sshll.u32 s6, $0x1;
	s3 =	sadd.s32 s4, s19  }
0x9c: {  	s7 =	simm.s32 $0x0;
	s20 =	sshll.u32 s5, $0x1;
	s5 =	sadd.s32 s21, s3  }
0x9d: {  	[timem:s7], [sflag:s22] =	dma.local [hbm:s5], s20  }
0x9e: {  	_ =	swait.ge [sflag:s22], s20  }
0x9f: {  	s4 =	ssub.s32 $0x0, s20;
	[sflag:s22] =	ssyncset.done $0x0  }
0xa0: {  	[sflag:s22] =	ssyncadd.s32 s4;
	_ =	sdelay $0x1  }
0xa1: {  	s23 =	simm.s32 $0x1B8B  }
0xa2: {  	_ =	swait.ge [sflag:s23], $0x1  }
0xa3: {  	[sflag:s23] =	ssyncset.done $0x0  }
0xa4: {  	s25 =	simm.s32 $0x1B8E;
	s24 =	sld [smem:$0x3FFE];
	[sflag:s23] =	ssyncadd.s32 $0xFFFFFFFF  }
0xa5: {  	s26 =	simm.s32 $execute0_lowered;
	[smem:$0x3FD2] =	sst s25  }
0xa6: {  	s5 =	sshll.u32 s26, $0x1;
	_ =	strace $0x80000046;
	[dreg:$0x1] =	wrdreg $0xFFFFFFFF  }
0xa7: {  	s28 =	simm.s32 $_size_execute0_lowered;
	s3 =	sadd.s32 s3, s5;
	[dreg:$0x0] =	wrdreg $0x0  }
0xa8: {  	s5 =	sshll.u32 s28, $0x1;
	[dreg:$0x2] =	wrdreg s3  }
0xa9: {  	[dreg:$0x3] =	wrdreg s5  }
0xaa: {  	[dreg:$0x4] =	wrdreg $0xC0  }
0xab: {  	_ =	task [dreg:s7], $0x5FFFF  }
0xac: {  	[dreg:$0x1] =	wrdreg $0xFFFFFFFF  }
0xad: {  	[dreg:$0x0] =	wrdreg $0x60  }
0xae: {  	[dreg:$0x2] =	wrdreg s24  }
0xaf: {  	[dreg:$0x3] =	wrdreg s2  }
0xb0: {  	[dreg:$0x4] =	wrdreg $0x0  }
0xb1: {  	[dreg:$0x5] =	wrdreg $0x9  }
0xb2: {  	_ =	task.clear_ibuf [dreg:s7], $0x6FFFF;
	_ =	strace $0x90000046  }
0xb3: {  	s29 =	simm.s32 $0x9;
	_ =	strace $0x80000048  }
0xb4: {  	_ =	swait.ge [sflag:s29], $0x1  }
0xb5: {  	[sflag:s29] =	ssyncadd.s32 $0xFFFFFFFF  }
0xb6: {  	_ =	strace $0x90000048  }
0xb7: {  	_ =	sfence  }
0xb8: {  	s30 =	sld [smem:$0x0];
	_ =	sdelay $0x2  }
0xb9: {  	s31 =	sshll.u32 s1, $0xD;
	s1 =	sshrl.u32 s1, $0x2  }
0xba: {  	s3 =	sand.u32 $0x4000, s31;
	s1 =	sadd.s32 s1, s30  }
0xbb: {  	s0 =	sor.u32 s3, s0;
	s1 =	sshll.u32 s1, $0x11  }
0xbc: {  	s0 =	sor.u32 s1, s0  }
0xbd: {  	s0 =	sadd.s32 $0x8F2B, s0  }
0xbe: {  	[sflag:s0] =	ssyncadd.remote.s32 $0x1  }
0xbf: {  	_ =	sfence.sel $0xFFFF  }
0xc0: {  	[dreg:$0x0] =	wrdreg $0xFFFFFFFF;
	(pc) =	sbr.abs _section_cstart, $3  }
0xc1: {  	[dreg:$0x1] =	wrdreg $0xFFFFFFFF  }
0xc2: {  	_ =	task.clear_ibuf [dreg:s7], $0x2FFFF;
	_ =	strace $0x9FFFFFFF  }
0xc3: {  	(tm) =	ssettm $0x7FFFFFFF  }
tec
execute0_lowered:
.L_overlay_start_1:
0x0: {  	(tag) =	ssettag $0x1  }
0x1: {  	s4 =	rddreg [dreg:$0x0]  }
0x2: {  	s0 =	srdreg.scid;
	s1 =	rddreg [dreg:$0x1]  }
0x3: {  	s11 =	stileid.u32;
	s2 =	rddreg [dreg:$0x2]  }
0x4: {  	s3 =	simm.s32 $0x0;
	s15 =	simm.s32 $0x10080;
	s16 =	simm.s32 $0x18  }
0x5: {  	s17 =	simm.s32 $0xFA20;
	s18 =	simm.s32 $0x18080;
	s19 =	simm.s32 $0x1  }
0x6: {  	s20 =	simm.s32 $0x2;
	s21 =	simm.s32 $0x10020;
	s22 =	simm.s32 $0x0  }
0x7: {  	s8 =	sand.u32 $0x1, s0;
	s0 =	rddreg [dreg:$0x3];
	s7 =	smul.u32 $0xC80, s11  }
0x8: {  	s25 =	sshll.u32 s11, $0x1;
	[smem:$0x7FF] =	sst s3;
	s14 =	smul.u32 $0x64000, s11  }
0x9: {  	s9 =	sadd.s32 $0x2200, s4;
	p0 =	sne.s32 s11, $0x0;
	s13 =	smul.u32 $0x640, s8  }
0xa: {  	s5 =	sor.u32 s8, s25;
	_ =	strace $0x80000047;
	s29 =	smul.u32 $0x32000, s8  }
0xb: {  	s26 =	ssub.s32 $0x2, s8;
	s11 =	sshrl.u32 @!p0 s2, $0x3;
	s6 =	smul.u32 $0x640, s5  }
0xc: {  	s5 =	smul.u32 $0x190000, s5;
	s10 =	sshrl.u32 s26, $0x1;
	s31 =	sadd.s32 s14, s9  }
0xd: {  	s14 =	simm.s32 $0x20;
	s10 =	ssub.s32 s26, s10;
	s13 =	sadd.s32 s13, s7  }
0xe: {  	s6 =	sshrl.u32 s6, $0x3;
	s5 =	sshrl.u32 s5, $0x3;
	s28 =	sshll.u32 s13, $0x7  }
0xf: {  	s8 =	smax.u32 s10, $0x1;
	s10 =	sadd.s32 s29, s31;
	s13 =	simm.s32 $0x3  }
0x10: {  	s6 =	sadd.s32 s6, s4;
	s12 =	sadd.s32 s9, s5;
	s30 =	sadd.s32 s28, s9  }
0x11: {  	s4 =	sadd.s32 $0x800, s6;
	s5 =	sadd.s32 $0x2F400, s12;
	s6 =	sadd.s32 $0x30400, s12  }
0x12: {  	s7 =	sadd.s32 $0x31000, s12;
	s9 =	sadd.s32 $0x1000, s30;
	s12 =	simm.s32 $0xFA00  }
.LBB2_1:
0x13: {  	s23 =	simm.s32 @!p0 $0x1C03  }
0x14: {  	[spmem:s11], [sflag:s23] =	dma.local @!p0 [hbm:s1], $0x1F400  }
0x15: {  	s23 =	simm.s32 @!p0 $0x3  }
0x16: {  	_ =	swait.ge @!p0 [sflag:s23], $0x1F400  }
0x17: {  	[sflag:s23] =	ssyncset.done @!p0 $0x0  }
0x18: {  	[sflag:s23] =	ssyncadd.s32 @!p0 $0xFFFE0C00  }
0x19: {  	[tilespmem:s12], [sflag:$0x3] =	stream.linear.gather [hbm4b:s4+s3], $0x640, $0x38;
	[tilespmem:$0x1E080] =	vst v63  }
0x1a: {  	_ =	swait.ge [sflag:s13], $0x640  }
0x1b: {  	[sflag:s13] =	ssyncset.done $0x0  }
0x1c: {  	[sflag:s13] =	ssyncadd.s32 $0xFFFFF9C0  }
0x1d: {  	[bflag:$0x0] =	sbarrier.arrive $0xFFFF  }
0x1e: {  	[tilespmem:s15], [sflag:$0x1] =	stream.indirect.gather [spmem:s2], $0x400, s12, s14, $0xb8;
	[tilespmem:$0x1E080] =	vst v63  }
0x1f: {  	_ = 	snop  }
0x20: {  	[tilespmem:s18], [sflag:$0x2] =	stream.indirect.gather [spmem:s2], $0x400, s17, s16, $0xb8;
	[tilespmem:$0x1E080] =	vst v63  }
0x21: {  	_ =	swait.ge [sflag:s19], $0x8000  }
0x22: {  	[sflag:s19] =	ssyncset.done $0x0  }
0x23: {  	s29 =	sadd.s32 $0x0, s10;
	[sflag:s19] =	ssyncadd.s32 $0xFFFF8000  }
0x24: {  	[hbm4b:s29+s3] =	stream.linear.scatter [tilespmem:s15], [sflag:$0x3], $0x8000, $0x38;
	[tilespmem:$0x1E080] =	vst v63  }
0x25: {  	_ =	swait.ge [sflag:s13], $0x8000  }
0x26: {  	[sflag:s13] =	ssyncset.done $0x0  }
0x27: {  	s30 =	simm.s32 $0xFA38;
	[sflag:s13] =	ssyncadd.s32 $0xFFFF8000  }
0x28: {  	[tilespmem:s15], [sflag:$0x1] =	stream.indirect.gather [spmem:s2], $0x400, s30, s14, $0xb8;
	[tilespmem:$0x1E080] =	vst v63  }
0x29: {  	_ =	swait.ge [sflag:s20], $0x6000  }
0x2a: {  	[sflag:s20] =	ssyncset.done $0x0  }
0x2b: {  	s31 =	sadd.s32 $0x0, s9;
	[sflag:s20] =	ssyncadd.s32 $0xFFFFA000  }
0x2c: {  	[hbm4b:s31+s3] =	stream.linear.scatter [tilespmem:s18], [sflag:$0x3], $0x6000, $0x38;
	[tilespmem:$0x1E080] =	vst v63  }
0x2d: {  	_ =	swait.ge [sflag:s13], $0x6000  }
0x2e: {  	s24 =	simm.s32 $0x1C00;
	[sflag:s13] =	ssyncset.done $0x0  }
0x2f: {  	s25 =	simm.s32 $0xFA90;
	s23 =	simm.s32 $0xFA58;
	[sflag:s13] =	ssyncadd.s32 $0xFFFFA000  }
.LBB2_2:
0x30: {  	[tilespmem:s18], [sflag:$0x2] =	stream.indirect.gather [spmem:s2], $0x400, s23, s16, $0xb8;
	[tilespmem:$0x1E080] =	vst v63  }
0x31: {  	s26 =	smov.u32 s24;
	s23 =	smov.u32 s25  }
0x32: {  	p1 =	sne.s32 s24, $0x2D800;
	s24 =	sadd.s32 $0x1C00, s24;
	_ =	swait.ge [sflag:s19], $0x8000  }
0x33: {  	[sflag:s19] =	ssyncset.done $0x0  }
0x34: {  	s28 =	sadd.s32 s26, s10;
	[sflag:s19] =	ssyncadd.s32 $0xFFFF8000  }
0x35: {  	[hbm4b:s28+s3] =	stream.linear.scatter [tilespmem:s15], [sflag:$0x3], $0x8000, $0x38;
	[tilespmem:$0x1E080] =	vst v63  }
0x36: {  	_ =	swait.ge [sflag:s13], $0x8000  }
0x37: {  	[sflag:s13] =	ssyncset.done $0x0  }
0x38: {  	s28 =	sadd.s32 $0xFFFFFFE0, s25;
	[sflag:s13] =	ssyncadd.s32 $0xFFFF8000  }
0x39: {  	[tilespmem:s15], [sflag:$0x1] =	stream.indirect.gather [spmem:s2], $0x400, s28, s14, $0xb8;
	[tilespmem:$0x1E080] =	vst v63  }
0x3a: {  	_ =	swait.ge [sflag:s20], $0x6000  }
0x3b: {  	[sflag:s20] =	ssyncset.done $0x0  }
.Ltmp0:
0x3c: {  	s26 =	sadd.s32 s26, s9;
	[sflag:s20] =	ssyncadd.s32 $0xFFFFA000;
	(pc) =	sbr.rel @p1 .LBB2_2-.Ltmp0, $4  }
0x3d: {  	[hbm4b:s26+s3] =	stream.linear.scatter [tilespmem:s18], [sflag:$0x3], $0x6000, $0x38;
	[tilespmem:$0x1E080] =	vst v63  }
0x3e: {  	_ =	swait.ge [sflag:s13], $0x6000  }
0x3f: {  	[sflag:s13] =	ssyncset.done $0x0  }
0x40: {  	s25 =	sadd.s32 $0x38, s25;
	[sflag:s13] =	ssyncadd.s32 $0xFFFFA000  }
0x41: {  	[tilespmem:s18], [sflag:$0x2] =	stream.indirect.gather [spmem:s2], $0x400, s23, s16, $0xb8;
	[tilespmem:$0x1E080] =	vst v63  }
0x42: {  	_ =	swait.ge [sflag:s19], $0x8000  }
0x43: {  	[sflag:s19] =	ssyncset.done $0x0  }
0x44: {  	[sflag:s19] =	ssyncadd.s32 $0xFFFF8000  }
0x45: {  	[hbm4b:s5+s3] =	stream.linear.scatter [tilespmem:s15], [sflag:$0x3], $0x8000, $0x38;
	[tilespmem:$0x1E080] =	vst v63  }
0x46: {  	_ =	swait.ge [sflag:s13], $0x8000  }
0x47: {  	[sflag:s13] =	ssyncset.done $0x0  }
0x48: {  	[sflag:s13] =	ssyncadd.s32 $0xFFFF8000  }
0x49: {  	[tilespmem:s15], [sflag:$0x1] =	stream.indirect.gather [spmem:s2], $0x400, s21, s14, $0xb8;
	[tilespmem:$0x1E080] =	vst v63  }
0x4a: {  	_ =	swait.ge [sflag:s20], $0x6000  }
0x4b: {  	[sflag:s20] =	ssyncset.done $0x0  }
0x4c: {  	[sflag:s20] =	ssyncadd.s32 $0xFFFFA000  }
0x4d: {  	[hbm4b:s6+s3] =	stream.linear.scatter [tilespmem:s18], [sflag:$0x3], $0x6000, $0x38;
	[tilespmem:$0x1E080] =	vst v63  }
0x4e: {  	_ =	swait.ge [sflag:s13], $0x6000  }
0x4f: {  	[sflag:s13] =	ssyncset.done $0x0  }
0x50: {  	[sflag:s13] =	ssyncadd.s32 $0xFFFFA000  }
0x51: {  	s22 =	sadd.s32 $0x1, s22;
	_ =	swait.ge [sflag:s19], $0x8000  }
0x52: {  	p1 =	sne.s32 s22, s8;
	[sflag:s19] =	ssyncset.done $0x0  }
.Ltmp1:
0x53: {  	[sflag:s19] =	ssyncadd.s32 $0xFFFF8000;
	(pc) =	sbr.rel @p1 .LBB2_1-.Ltmp1, $4  }
0x54: {  	[hbm4b:s7+s3] =	stream.linear.scatter [tilespmem:s15], [sflag:$0x3], $0x8000, $0x38;
	[tilespmem:$0x1E080] =	vst v63  }
0x55: {  	_ =	swait.ge [sflag:s13], $0x8000  }
0x56: {  	[sflag:s13] =	ssyncset.done $0x0  }
0x57: {  	[sflag:s13] =	ssyncadd.s32 $0xFFFF8000  }
0x58: {  	_ =	sfence.sel $0x180000  }
0x59: {  	[bflag:$0x0] =	sbarrier.arrive $0xFFFF  }
0x5a: {  	_ =	strace $0x90000047  }
0x5b: {  	s0 =	sadd.s32 @!p0 $0x100000, s0;
	[bflag:$0x2] =	sbarrier.arrive $0xFFFF  }
0x5c: {  	[sflag:s0] =	ssyncadd.tile.s32 @!p0 $0x1;
	_ =	shalt  }
.Lfunc_end2:
_tile_overlayer_lowered:
.L_overlay_start_2:
0x5d: {  	(tag) =	ssettag $0x2  }
0x5e: {  	s0 =	rddreg [dreg:$0x0];
	s2 =	stileid.u32  }
0x5f: {  	s1 =	rddreg [dreg:$0x1];
	p0 =	sne.s32 s2, $0x0  }
0x60: {  	s3 =	rddreg [dreg:$0x2];
	[bflag:$0x3] =	sbarrier.arrive $0xFFFF;
	s2 =	simm.s32 @!p0 $0x1C03  }
0x61: {  	[timem:s3], [sflag:s2] =	dma.local @!p0 [hbm:s0], s1  }
0x62: {  	s0 =	simm.s32 @!p0 $0x3  }
0x63: {  	_ =	swait.ge @!p0 [sflag:s0], s1  }
0x64: {  	s1 =	ssub.s32 @!p0 $0x0, s1;
	[sflag:s0] =	ssyncset.done @!p0 $0x0  }
0x65: {  	[sflag:s0] =	ssyncadd.s32 @!p0 s1  }
0x66: {  	[bflag:$0x3] =	sbarrier.arrive $0xFFFF  }
0x67: {  	_ =	shalt  }

// kernel: sparse-core-data-format-call.cloned.1.call-start
scs
called_computation_lowered:
.L_overlay_start_0:
0x0: {  	s2 =	sld [smem:$0x3FD9]  }
0x1: {  	s3 =	sld [smem:$0x3FFE];
	_ =	sdelay $0x1  }
0x2: {  	s1 =	srdreg.scid  }
0x3: {  	s0 =	sand.u32 $0x1, s1  }
0x4: {  	s18 =	sshll.u32 s0, $0xA;
	s2 =	sadd.s32 s3, s2  }
0x5: {  	s2 =	sadd.s32 s2, s18  }
0x6: {  	[smem:$0x3FC6] =	sst s2  }
0x7: {  	_ = 	snop  }
0x8: {  	s2 =	sld [smem:$0x3FD0];
	(tm) =	ssettm $0x1  }
0x9: {  	s19 =	sld [smem:$0x3FFB];
	_ =	sdelay $0x3  }
0xa: {  	_ =	strace s19  }
0xb: {  	s3 =	sld [smem:$0x3FFC];
	_ =	sdelay $0x3  }
0xc: {  	_ =	strace s3  }
0xd: {  	s3 =	sld [smem:$0x3FFD];
	_ =	sdelay $0x3  }
0xe: {  	_ =	strace s3  }
0xf: {  	_ =	strace $0x8FFFFFFF  }
0x10: {  	s20 =	sld [smem:$0x3FDB];
	_ =	sdelay $0x1  }
0x11: {  	s4 =	simm.s32 $_scs_section_size  }
0x12: {  	s5 =	simm.s32 $_size__tile_overlayer_lowered;
	s6 =	simm.s32 $_tile_overlayer_lowered  }
0x13: {  	s23 =	simm.s32 $0x1BFF;
	s22 =	sshll.u32 s6, $0x1;
	s3 =	sadd.s32 s4, s20  }
0x14: {  	s7 =	simm.s32 $0x0;
	s21 =	sshll.u32 s5, $0x1;
	s5 =	sadd.s32 s22, s3  }
0x15: {  	[timem:s7], [sflag:s23] =	dma.local [hbm:s5], s21  }
0x16: {  	_ =	swait.ge [sflag:s23], s21  }
0x17: {  	s4 =	ssub.s32 $0x0, s21;
	[sflag:s23] =	ssyncset.done $0x0  }
0x18: {  	[sflag:s23] =	ssyncadd.s32 s4;
	_ =	sdelay $0x1  }
0x19: {  	s24 =	simm.s32 $0x1B8B  }
0x1a: {  	_ =	swait.ge [sflag:s24], $0x1  }
0x1b: {  	[sflag:s24] =	ssyncset.done $0x0  }
0x1c: {  	s26 =	simm.s32 $0x1B8E;
	s25 =	sld [smem:$0x3FFE];
	[sflag:s24] =	ssyncadd.s32 $0xFFFFFFFF  }
0x1d: {  	s27 =	simm.s32 $execute0_lowered;
	[smem:$0x3FD2] =	sst s26  }
0x1e: {  	s5 =	sshll.u32 s27, $0x1;
	_ =	strace $0x80000049;
	[dreg:$0x1] =	wrdreg $0xFFFFFFFF  }
0x1f: {  	s28 =	simm.s32 $_size_execute0_lowered;
	s3 =	sadd.s32 s3, s5;
	[dreg:$0x0] =	wrdreg $0x0  }
0x20: {  	s5 =	sshll.u32 s28, $0x1;
	[dreg:$0x2] =	wrdreg s3  }
0x21: {  	[dreg:$0x3] =	wrdreg s5  }
0x22: {  	[dreg:$0x4] =	wrdreg $0xC0  }
0x23: {  	_ =	task [dreg:s7], $0x5FFFF  }
0x24: {  	[dreg:$0x1] =	wrdreg $0xFFFFFFFF  }
0x25: {  	[dreg:$0x0] =	wrdreg $0x60  }
0x26: {  	[dreg:$0x2] =	wrdreg s25  }
0x27: {  	[dreg:$0x3] =	wrdreg s2  }
0x28: {  	[dreg:$0x4] =	wrdreg $0x9  }
0x29: {  	_ =	task.clear_ibuf [dreg:s7], $0x5FFFF;
	_ =	strace $0x90000049  }
0x2a: {  	s29 =	simm.s32 $0x9;
	_ =	strace $0x8000004B  }
0x2b: {  	_ =	swait.ge [sflag:s29], $0x1  }
0x2c: {  	[sflag:s29] =	ssyncadd.s32 $0xFFFFFFFF  }
0x2d: {  	_ =	strace $0x9000004B  }
0x2e: {  	_ =	sfence  }
0x2f: {  	s30 =	sld [smem:$0x0];
	_ =	sdelay $0x2  }
0x30: {  	s31 =	sshll.u32 s1, $0xD;
	s1 =	sshrl.u32 s1, $0x2  }
0x31: {  	s3 =	sand.u32 $0x4000, s31;
	s1 =	sadd.s32 s1, s30  }
0x32: {  	s0 =	sor.u32 s3, s0;
	s1 =	sshll.u32 s1, $0x11  }
0x33: {  	s0 =	sor.u32 s1, s0  }
0x34: {  	s0 =	sadd.s32 $0x8F2B, s0  }
0x35: {  	[sflag:s0] =	ssyncadd.remote.s32 $0x1  }
0x36: {  	_ =	sfence.sel $0xFFFF  }
0x37: {  	[dreg:$0x0] =	wrdreg $0xFFFFFFFF;
	(pc) =	sbr.abs _section_cstart, $3  }
0x38: {  	[dreg:$0x1] =	wrdreg $0xFFFFFFFF  }
0x39: {  	_ =	task.clear_ibuf [dreg:s7], $0x2FFFF;
	_ =	strace $0x9FFFFFFF  }
0x3a: {  	(tm) =	ssettm $0x7FFFFFFF  }
0x3b: {  	_ =	shalt  }
tec
execute0_lowered:
.L_overlay_start_1:
0x0: {  	(tag) =	ssettag $0x1  }
0x1: {  	s4 =	rddreg [dreg:$0x0]  }
0x2: {  	s0 =	stileid.u32;
	s2 =	rddreg [dreg:$0x1]  }
0x3: {  	s7 =	srdreg.scid;
	s31 =	simm.s32 $0x2;
	s17 =	simm.s32 $0x0  }
0x4: {  	s9 =	simm.s32 $0x2000;
	s19 =	simm.s32 $0x0;
	s18 =	simm.s32 $0x0  }
0x5: {  	s10 =	simm.s32 $0x0;
	s11 =	simm.s32 $0x0;
	s1 =	sshll.u32 s0, $0x7  }
0x6: {  	s12 =	simm.s32 $0x0;
	s14 =	simm.s32 $0x0;
	s3 =	sand.u32 $0x380, s1  }
0x7: {  	s16 =	simm.s32 $0x0;
	s4 =	sadd.s32 $0x642200, s4;
	s5 =	ssub.s32 $0x400, s3  }
0x8: {  	s8 =	sshll.u32 s0, $0x4;
	s7 =	sshll.u32 s7, $0x8;
	s6 =	sand.u32 $0x380, s5  }
0x9: {  	s1 =	rddreg [dreg:$0x2];
	p0 =	sne.s32 s6, $0x0;
	s6 =	simm.s32 $0x1  }
.Ltmp0:
0xa: {  	s5 =	sshrl.u32 s5, $0xA;
	s6 =	simm.s32 @!p0 $0x0;
	(pc) =	sbr.rel .LBB1_1-.Ltmp0, $4  }
0xb: {  	_ =	strace $0x8000004A;
	s7 =	sor.u32 s8, s7;
	s6 =	sadd.s32 s6, s5  }
0xc: {  	s7 =	sand.u32 $0x180, s7;
	s5 =	simm.s32 $0x1;
	s6 =	smul.u32 $0x64, s6  }
0xd: {  	s15 =	smov.u32 s3;
	s13 =	smov.u32 s7;
	[sflag:s5] =	ssyncpa.u1 $0x0  }
0xe: {  	p0 =	por $0x0, $0x0;
	[sflag:s31] =	ssyncpa.u1 $0x0;
	s8 =	sor.u32 $0x1, s6  }
.LBB1_4:
0xf: {  	s25 =	sshll.u32 s10, $0xA;
	s24 =	sshra.s32 s24, $0x2;
	s26 =	sshll.u32 s12, $0x3  }
0x10: {  	p1 =	sgt.s32 s11, $0x31;
	s27 =	smov.u32 s11;
	s28 =	sshra.s32 s11, $0x1F  }
0x11: {  	p2 =	sgt.s32 s12, $0x380;
	s31 =	sshra.s32 s12, $0x1F;
	s25 =	sand.u32 $0xFFFFE000, s25  }
0x12: {  	s26 =	sand.u32 $0xFFFFFC00, s26;
	s27 =	simm.s32 @!p1 $0x31;
	s28 =	sand.u32 s28, s11  }
0x13: {  	[tilespmem:s22+$0x2040 ss:$0x81] =	vst.msk $0xffff, v4;
	s23 =	sadd.s32 s24, s23;
	s29 =	sadd.s32 s26, s25;
	s25 =	ssub.s32 s27, s28  }
0x14: {  	[tilespmem:s22+$0x2850 ss:$0x81] =	vst.msk $0xffff, v3;
	s27 =	smov.u32 s12;
	s28 =	smov.u32 s10;
	s26 =	sand.u32 s31, s12  }
0x15: {  	[tilespmem:s22+$0x3060 ss:$0x81] =	vst.msk $0xffff, v2;
	s24 =	sshrl.u32 s29, $0xA;
	s30 =	sadd.s32 $0xFFFFFFCF, s25;
	s27 =	simm.s32 @!p2 $0x380  }
0x16: {  	v5 =	vld [tilespmem:s21+$0xFFFFFFD0];
	[tilespmem:s22+$0x0 ss:$0x81] =	vst.msk $0xffff, v1;
	p2 =	sgt.s32 s10, $0x368;
	s29 =	sshra.s32 s10, $0x1F;
	s22 =	ssub.s32 $0x32, s25  }
0x17: {  	v58 =	vld [tilespmem:s21+$0xFFFFFFE0];
	p1 =	sgt.s32 s30, $0x0;
	s28 =	simm.s32 @!p2 $0x368;
	s29 =	sand.u32 s29, s10  }
0x18: {  	v59 =	vld [tilespmem:s21+$0xFFFFFFF0];
	s26 =	ssub.s32 s27, s26;
	s27 =	smulhi.u32 $0x418938, s24;
	s28 =	ssub.s32 s28, s29  }
0x19: {  	v60 =	vld [tilespmem:s21+$0x0];
	s30 =	sadd.s32 $0xFFFFFC80, s26;
	s25 =	ssub.s32 $0x400, s26;
	s22 =	simm.s32 @p1 $0x0  }
0x1a: {  	v61 =	vld [tilespmem:s21+$0x10];
	[tilespmem:s23+$0x3870 ss:$0x81] =	vst.msk $0xffff, v0;
	s29 =	sand.u32 $0x78, s12;
	p2 =	sgt.s32 s30, $0x7F;
	s31 =	sadd.s32 $0xFFFFFC98, s28  }
0x1b: {  	v62 =	vld [tilespmem:s21+$0x20];
	[tilespmem:s23+$0x810 ss:$0x81] =	vst.msk $0xffff, v5;
	s27 =	smul.u32 $0x3E8, s27;
	s30 =	sshll.u32 s10, $0x7;
	s28 =	ssub.s32 $0x3E8, s28  }
0x1c: {  	v63 =	vld [tilespmem:s21+$0xFFFFFFC0];
	[tilespmem:s23+$0x1020 ss:$0x81] =	vst.msk $0xffff, v58;
	s25 =	simm.s32 @p2 $0x0;
	p1 =	sgt.s32 s31, $0x7F;
	s31 =	smul.u32 $0x1F400, s11  }
0x1d: {  	[tilespmem:s23+$0x1830 ss:$0x81] =	vst.msk $0xffff, v59;
	s21 =	sand.u32 $0x380, s30;
	s22 =	smul.u32 s25, s22;
	s28 =	simm.s32 @p1 $0x0  }
0x1e: {  	[tilespmem:s23+$0x2040 ss:$0x81] =	vst.msk $0xffff, v60;
	s21 =	sor.u32 s29, s21;
	s24 =	ssub.s32 s24, s27;
	s29 =	sand.u32 $0x7, s12  }
0x1f: {  	[tilespmem:s23+$0x2850 ss:$0x81] =	vst.msk $0xffff, v61;
	s21 =	sshrl.u32 s21, $0x3;
	s25 =	sadd.s32 s2, s31;
	s22 =	smul.u32 s28, s22  }
0x20: {  	[tilespmem:s23+$0x3060 ss:$0x81] =	vst.msk $0xffff, v62;
	s24 =	sshll.u32 s24, $0x7;
	s30 =	sshll.u32 s29, $0x12;
	s21 =	sadd.s32 s21, s25  }
0x21: {  	[tilespmem:s23+$0x0 ss:$0x81] =	vst.msk $0xffff, v63;
	s31 =	sor.u32 $0x400, s30;
	s21 =	sadd.s32 s24, s21;
	s22 =	sand.u32 $0x3FFFFFFF, s22  }
0x22: {  	[hbm4b:s21+s31] =	stream.strided.scatter [tilespmem:s20], [sflag:$0x2], s22, s9, s31, $0x20;
	[tilespmem:$0x10100] =	vst v63  }
.LBB1_5:
0x23: {  	p1 =	slt.u32 s16, $0x2  }
0x24: {  	p2 =	sgt.s32 @!p1 s19, $0x31  }
0x25: {  	s20 =	smov.u32 s19;
	s21 =	sshra.s32 @!p1 s19, $0x1F;
	p2 =	por !p2, p1  }
0x26: {  	s19 =	sand.u32 @!p1 s21, s19;
	s20 =	simm.s32 @p2 $0x31  }
0x27: {  	p3 =	sgt.s32 @!p1 s17, $0x368;
	s19 =	ssub.s32 @!p1 s20, s19  }
0x28: {  	p4 =	sgt.s32 @!p1 s18, $0x380;
	s22 =	sshra.s32 @!p1 s18, $0x1F;
	s20 =	sadd.s32 @!p1 $0xFFFFFFCF, s19  }
0x29: {  	s21 =	smov.u32 s17;
	p2 =	sgt.s32 @!p1 s20, $0x0;
	s20 =	sshra.s32 @!p1 s17, $0x1F  }
0x2a: {  	p4 =	por !p4, p1;
	s17 =	sand.u32 @!p1 s20, s17;
	s20 =	smov.u32 s18  }
0x2b: {  	p3 =	por !p3, p1;
	s18 =	sand.u32 @!p1 s22, s18;
	s20 =	simm.s32 @p4 $0x380  }
0x2c: {  	s21 =	simm.s32 @p3 $0x368;
	s19 =	ssub.s32 @!p1 $0x32, s19;
	s18 =	ssub.s32 @!p1 s20, s18  }
0x2d: {  	p2 =	por !p2, p1;
	s17 =	ssub.s32 @!p1 s21, s17;
	s21 =	sadd.s32 @!p1 $0xFFFFFC80, s18  }
0x2e: {  	s19 =	simm.s32 @!p2 $0x0;
	p3 =	sgt.s32 @!p1 s21, $0x7F  }
0x2f: {  	s20 =	sadd.s32 @!p1 $0xFFFFFC98, s17;
	s18 =	ssub.s32 @!p1 $0x400, s18;
	p3 =	por !p3, p1  }
0x30: {  	p2 =	sgt.s32 @!p1 s20, $0x7F;
	s20 =	sadd.s32 $0x200, s13;
	s18 =	simm.s32 @!p3 $0x0  }
0x31: {  	p3 =	sgt.s32 s20, $0x3E7;
	s18 =	smul.u32 @!p1 s18, s19;
	s19 =	simm.s32 $0x1  }
0x32: {  	s17 =	ssub.s32 @!p1 $0x3E8, s17;
	p2 =	por !p2, p1;
	s19 =	simm.s32 @!p3 $0x0  }
0x33: {  	s22 =	smov.u32 s15;
	s17 =	simm.s32 @!p2 $0x0;
	s21 =	sadd.s32 s19, s14  }
0x34: {  	s17 =	smul.u32 @!p1 s17, s18;
	s18 =	sadd.s32 $0x400, s15;
	p2 =	sgt.s32 s21, $0x31  }
0x35: {  	p0 =	por !p0, !p0;
	s23 =	simm.s32 @!p1 $0x2;
	s22 =	smov.u32 @p2 s18  }
0x36: {  	s20 =	smov.u32 @p3 s7;
	s21 =	simm.s32 @p2 $0x0;
	p2 =	sgt.s32 s22, $0x3FF  }
0x37: {  	s19 =	smov.u32 s11;
	s22 =	smov.u32 @p2 s3;
	p2 =	sne.s32 s16, s8  }
.Ltmp1:
0x38: {  	s11 =	smov.u32 s14;
	s17 =	sand.u32 @!p1 $0x3FFFFFFF, s17;
	(pc) =	sbr.rel @!p2 .LBB1_6-.Ltmp1, $4  }
0x39: {  	s18 =	smov.u32 s12;
	s12 =	smov.u32 s15;
	_ =	swait.ge @!p1 [sflag:s23], s17  }
0x3a: {  	s24 =	ssub.s32 @!p1 $0x0, s17;
	s17 =	smov.u32 s10;
	s10 =	smov.u32 s13  }
0x3b: {  	s13 =	smov.u32 s20;
	s14 =	smov.u32 s21;
	[sflag:s23] =	ssyncset.done @!p1 $0x0  }
0x3c: {  	s16 =	sadd.s32 $0x1, s16;
	[sflag:s23] =	ssyncadd.s32 @!p1 s24;
	s15 =	smov.u32 s22  }
.LBB1_1:
0x3d: {  	p1 =	sge.u32 s16, s6  }
0x3e: {  	s20 =	sshll.u32 @!p1 s14, $0xA  }
0x3f: {  	s21 =	sshll.u32 @!p1 s13, $0x3;
	s20 =	sand.u32 @!p1 $0xFFFFE000, s20  }
0x40: {  	s20 =	sadd.s32 @!p1 s20, s21  }
0x41: {  	s20 =	sshrl.u32 @!p1 s20, $0xA  }
0x42: {  	s21 =	smulhi.u32 @!p1 $0x4924925, s20  }
0x43: {  	s22 =	sshll.u32 @!p1 s14, $0x7;
	s24 =	smul.u32 @!p1 $0x1C00, s15  }
0x44: {  	s23 =	sand.u32 @!p1 $0x78, s13;
	s22 =	sand.u32 @!p1 $0x380, s22;
	s21 =	smul.u32 @!p1 $0x38, s21  }
0x45: {  	s31 =	sadd.s32 $0xFFFFFFFF, s16;
	s22 =	sor.u32 @!p1 s23, s22;
	s23 =	sadd.s32 @!p1 s4, s24  }
0x46: {  	s22 =	sshrl.u32 @!p1 s22, $0x3;
	s20 =	ssub.s32 @!p1 s20, s21;
	s21 =	sxor.u32 @!p1 $0xFFFFFFFF, s16  }
0x47: {  	s22 =	sadd.s32 @!p1 s22, s23;
	s23 =	sand.u32 @!p1 $0x7, s13;
	s21 =	sshll.u32 @!p1 s21, $0xE  }
0x48: {  	s23 =	sshll.u32 @!p1 s23, $0x12;
	s20 =	sshll.u32 @!p1 s20, $0x7;
	s21 =	sand.u32 @!p1 $0x4000, s21  }
0x49: {  	s20 =	sadd.s32 @!p1 s20, s22;
	s22 =	sor.u32 @!p1 $0x80, s23;
	s23 =	simm.s32 @!p1 $0xE000  }
0x4a: {  	[tilespmem:s21], [sflag:$0x1] =	stream.strided.gather @!p1 [hbm4b:s20+s22], $0x4000, s23, s22, $0x38;
	[tilespmem:$0x10100] =	vst v63  }
0x4b: {  	p1 =	sge.u32 s31, s6  }
.Ltmp2:
0x4c: {  	_ = 	snop;
	(pc) =	sbr.rel @p1 .LBB1_5-.Ltmp2, $1  }
0x4d: {  	_ =	sdelay $0x3  }
0x4e: {  	s20 =	simm.s32 $0x1  }
0x4f: {  	_ =	swait.ge [sflag:s5], $0x4000;
	s20 =	simm.s32 @!p0 $0x0  }
0x50: {  	[sflag:s5] =	ssyncset.done $0x0;
	s21 =	sshll.u32 s20, $0xE  }
0x51: {  	[sflag:s5] =	ssyncadd.s32 $0xFFFFC000;
	s21 =	sor.u32 $0x40, s21  }
0x52: {  	s20 =	smul.u32 $0x10200, s20;
	v0 =	vld [tilespmem:s21+$0x30]  }
0x53: {  	v1 =	vld [tilespmem:s21+$0xFFFFFFD0]  }
0x54: {  	s20 =	sshrl.u32 s20, $0x2;
	v5 =	vld [tilespmem:s21+$0xFFFFFFE0]  }
0x55: {  	v6 =	vld [tilespmem:s21+$0xFFFFFFF0];
	s23 =	sor.u32 $0x8000, s20  }
0x56: {  	s31 =	sand.u32 $0x1, s16;
	v4 =	vld [tilespmem:s21+$0x0];
	s22 =	sadd.s32 $0x0, s23  }
0x57: {  	v3 =	vld [tilespmem:s21+$0x10];
	s20 =	smul.u32 $0x10200, s31;
	[tilespmem:s22+$0x3870 ss:$0x81] =	vst.msk $0xffff, v0  }
0x58: {  	v2 =	vld [tilespmem:s21+$0x20];
	[tilespmem:s22+$0x810 ss:$0x81] =	vst.msk $0xffff, v1  }
0x59: {  	s20 =	sshrl.u32 s20, $0x2;
	v1 =	vld [tilespmem:s21+$0xFFFFFFC0];
	[tilespmem:s22+$0x1020 ss:$0x81] =	vst.msk $0xffff, v5;
	s21 =	sadd.s32 $0x80, s21  }
0x5a: {  	s24 =	simm.s32 $0x4;
	s25 =	simm.s32 $0x8;
	s20 =	sor.u32 $0x8000, s20;
	[tilespmem:s22+$0x1830 ss:$0x81] =	vst.msk $0xffff, v6;
	v0 =	vld [tilespmem:s21+$0x30]  }
.LBB1_3:
0x5b: {  	p1 =	sne.s32 s25, $0x1FC;
	v5 =	vld [tilespmem:s21+$0xFFFFFFD0];
	[tilespmem:s22+$0x2040 ss:$0x81] =	vst.msk $0xffff, v4  }
0x5c: {  	v6 =	vld [tilespmem:s21+$0xFFFFFFE0];
	[tilespmem:s22+$0x2850 ss:$0x81] =	vst.msk $0xffff, v3  }
0x5d: {  	s26 =	sshra.s32 s24, $0x2;
	s24 =	smov.u32 s25;
	v7 =	vld [tilespmem:s21+$0xFFFFFFF0];
	[tilespmem:s22+$0x3060 ss:$0x81] =	vst.msk $0xffff, v2  }
.Ltmp3:
0x5e: {  	v4 =	vld [tilespmem:s21+$0x0];
	[tilespmem:s22+$0x0 ss:$0x81] =	vst.msk $0xffff, v1;
	s22 =	sadd.s32 s26, s23;
	(pc) =	sbr.rel @p1 .LBB1_3-.Ltmp3, $4  }
0x5f: {  	v3 =	vld [tilespmem:s21+$0x10];
	[tilespmem:s22+$0x3870 ss:$0x81] =	vst.msk $0xffff, v0  }
0x60: {  	[tilespmem:s22+$0x810 ss:$0x81] =	vst.msk $0xffff, v5;
	v2 =	vld [tilespmem:s21+$0x20]  }
0x61: {  	v1 =	vld [tilespmem:s21+$0xFFFFFFC0];
	[tilespmem:s22+$0x1020 ss:$0x81] =	vst.msk $0xffff, v6;
	s21 =	sadd.s32 $0x80, s21  }
0x62: {  	s25 =	sadd.s32 $0x4, s25;
	v0 =	vld [tilespmem:s21+$0x30];
	[tilespmem:s22+$0x1830 ss:$0x81] =	vst.msk $0xffff, v7  }
.Ltmp4:
0x63: {  	_ = 	snop;
	(pc) =	sbr.rel .LBB1_4-.Ltmp4, $1  }
0x64: {  	_ =	sdelay $0x3  }
.LBB1_6:
0x65: {  	_ =	sfence.sel $0x180000  }
0x66: {  	s2 =	simm.s32 $0x1;
	[bflag:$0x0] =	sbarrier.arrive $0xFFFF  }
0x67: {  	s31 =	simm.s32 $0x2;
	[sflag:s2] =	ssyncpa.u1 $0x1  }
0x68: {  	[sflag:s31] =	ssyncpa.u1 $0x1  }
0x69: {  	p0 =	sne.s32 s0, $0x0;
	_ =	strace $0x9000004A  }
0x6a: {  	s0 =	sadd.s32 @!p0 $0x100000, s1;
	[bflag:$0x2] =	sbarrier.arrive $0xFFFF  }
0x6b: {  	[sflag:s0] =	ssyncadd.tile.s32 @!p0 $0x1;
	_ =	shalt  }
.Lfunc_end1:
_tile_overlayer_lowered:
.L_overlay_start_2:
0x6c: {  	(tag) =	ssettag $0x2  }
0x6d: {  	s0 =	rddreg [dreg:$0x0];
	s2 =	stileid.u32  }
0x6e: {  	s1 =	rddreg [dreg:$0x1];
	p0 =	sne.s32 s2, $0x0  }
0x6f: {  	s3 =	rddreg [dreg:$0x2];
	[bflag:$0x3] =	sbarrier.arrive $0xFFFF;
	s2 =	simm.s32 @!p0 $0x1C01  }
0x70: {  	[timem:s3], [sflag:s2] =	dma.local @!p0 [hbm:s0], s1  }
0x71: {  	s0 =	simm.s32 @!p0 $0x1  }
0x72: {  	_ =	swait.ge @!p0 [sflag:s0], s1  }
0x73: {  	s1 =	ssub.s32 @!p0 $0x0, s1;
	[sflag:s0] =	ssyncset.done @!p0 $0x0  }
0x74: {  	[sflag:s0] =	ssyncadd.s32 @!p0 s1  }
0x75: {  	[bflag:$0x3] =	sbarrier.arrive $0xFFFF  }
0x76: {  	_ =	shalt  }

</sc_bundles>
